<compile_context>
chip_gen: v7x
topology: tpu7x:2x2x1
jax: 0.10.2.dev20260603
libtpu: 0.0.44.dev20260713+nightly
codegen_flags: <defaults>
</compile_context>

<pallas_src>
import functools

import jax
import jax.numpy as jnp
from jax import lax
from jax.experimental import pallas as pl
from jax.experimental.pallas import tpu as pltpu
from jax.experimental.pallas import tpu_sc as plsc

L = 2048
K = 64
I = 512
C = 128
R = L * K

NW = 32
RPW = R // NW
CHUNK = 128
NCH = RPW // CHUNK

LB = 8
BR = LB * K


def _proj_body(c_ref, wl_ref, wm_ref, q_ref, m_ref):
    r = jnp.maximum(c_ref[...], 0.0)
    q_ref[...] = jnp.dot(r, wl_ref[...], preferred_element_type=jnp.float32)
    m_ref[...] = jnp.dot(r, wm_ref[...], preferred_element_type=jnp.float32)


def _proj(c_l, w_l, w_m):
    return pl.pallas_call(
        _proj_body,
        out_shape=[jax.ShapeDtypeStruct((L, C), jnp.float32),
                   jax.ShapeDtypeStruct((L, C), jnp.float32)],
    )(c_l, w_l, w_m)


def _gather_body(m_hbm, zf_hbm, idx_hbm, tok_hbm, gm_hbm, gz_hbm,
                 tok_v, idx_v, gidx_v, zidx_v,
                 bm0, bm1, bz0, bz1, sm0, sm1, sz0, sz1):
    cid = lax.axis_index("c")
    sid = lax.axis_index("s")
    wid = sid * 2 + cid
    base = wid * RPW

    pltpu.sync_copy(tok_hbm, tok_v)
    pltpu.sync_copy(idx_hbm.at[pl.ds(base, RPW)], idx_v)

    def prep(i, carry):
        off = i * 16
        g = idx_v[pl.ds(off, 16)]
        g = jnp.minimum(jnp.maximum(g, 0), L - 1)
        r = base + off + lax.iota(jnp.int32, 16)
        l = jax.lax.shift_right_logical(r, 6)
        tq = plsc.load_gather(tok_v, [l])
        tk = plsc.load_gather(tok_v, [g])
        gidx_v[pl.ds(off, 16)] = g
        zidx_v[pl.ds(off, 16)] = tq * I + tk
        return carry

    lax.fori_loop(0, RPW // 16, prep, 0)

    bufs = ((bm0, bz0, sm0, sz0), (bm1, bz1, sm1, sz1))

    def gather2(i, carry):
        handles = []
        for b, (bm, bz, sm, sz) in enumerate(bufs):
            cc = i * 2 + b
            hm = pltpu.async_copy(
                m_hbm.at[gidx_v.at[pl.ds(cc * CHUNK, CHUNK)]], bm, sm)
            hz = pltpu.async_copy(
                zf_hbm.at[zidx_v.at[pl.ds(cc * CHUNK, CHUNK)]], bz, sz)
            handles.append((cc, bm, bz, hm, hz))
        for cc, bm, bz, hm, hz in handles:
            out_off = base + cc * CHUNK
            hm.wait()
            pltpu.sync_copy(bm, gm_hbm.at[pl.ds(out_off, CHUNK)])
            hz.wait()
            pltpu.sync_copy(bz, gz_hbm.at[pl.ds(out_off, CHUNK)])
        return carry

    lax.fori_loop(0, NCH // 2, gather2, 0)


_gather = functools.partial(
    pl.kernel,
    mesh=plsc.VectorSubcoreMesh(core_axis_name="c", subcore_axis_name="s"),
    compiler_params=pltpu.CompilerParams(needs_layout_passes=False),
    out_type=[jax.ShapeDtypeStruct((R, C), jnp.float32),
              jax.ShapeDtypeStruct((R, C), jnp.float32)],
    scratch_types=[
        pltpu.VMEM((L,), jnp.int32),
        pltpu.VMEM((RPW,), jnp.int32),
        pltpu.VMEM((RPW,), jnp.int32),
        pltpu.VMEM((RPW,), jnp.int32),
        pltpu.VMEM((CHUNK, C), jnp.float32),
        pltpu.VMEM((CHUNK, C), jnp.float32),
        pltpu.VMEM((CHUNK, C), jnp.float32),
        pltpu.VMEM((CHUNK, C), jnp.float32),
        pltpu.SemaphoreType.DMA,
        pltpu.SemaphoreType.DMA,
        pltpu.SemaphoreType.DMA,
        pltpu.SemaphoreType.DMA,
    ],
)(_gather_body)


def _mlp_body(q_ref, gm_ref, gz_ref, gzw_ref, wz_ref, w1_ref, w2_ref, w3_ref,
              o_ref):
    q = q_ref[...]
    qb = jnp.broadcast_to(q[:, None, :], (LB, K, C)).reshape(BR, C)
    z = gz_ref[...]
    ms = jnp.mean(z * z, axis=-1, keepdims=True)
    zn = z * lax.rsqrt(ms + 1e-6) * gzw_ref[...]
    p = qb + gm_ref[...] + jnp.dot(zn, wz_ref[...],
                                   preferred_element_type=jnp.float32)
    h = jnp.dot(jnp.maximum(p, 0.0), w1_ref[...],
                preferred_element_type=jnp.float32)
    h = jnp.dot(jnp.maximum(h, 0.0), w2_ref[...],
                preferred_element_type=jnp.float32)
    h = jnp.dot(jnp.maximum(h, 0.0), w3_ref[...],
                preferred_element_type=jnp.float32)
    o_ref[...] = p + h


def _mlp(q, gm, gz, gzw, wz, w1, w2, w3):
    wspec = pl.BlockSpec((C, C), lambda i: (0, 0))
    return pl.pallas_call(
        _mlp_body,
        grid=(R // BR,),
        in_specs=[
            pl.BlockSpec((LB, C), lambda i: (i, 0)),
            pl.BlockSpec((BR, C), lambda i: (i, 0)),
            pl.BlockSpec((BR, C), lambda i: (i, 0)),
            pl.BlockSpec((1, C), lambda i: (0, 0)),
            wspec, wspec, wspec, wspec,
        ],
        out_specs=pl.BlockSpec((BR, C), lambda i: (i, 0)),
        out_shape=jax.ShapeDtypeStruct((R, C), jnp.float32),
    )(q, gm, gz, gzw, wz, w1, w2, w3)


def kernel(indices, C_L, Z_init_II, tok_idx, W_l, W_m, g_z, W_z,
           W_mlp1, W_mlp2, W_mlp3):
    idx_flat = indices.reshape(R).astype(jnp.int32)
    tok = tok_idx.astype(jnp.int32)
    zf = Z_init_II.reshape(I * I, C)
    q, m = _proj(C_L[0], W_l, W_m)
    gm, gz = _gather(m, zf, idx_flat, tok)
    out = _mlp(q, gm, gz, g_z.reshape(1, C), W_z, W_mlp1, W_mlp2, W_mlp3)
    return out.reshape(1, L, K, C)

# --- scband reference (transcript-rebuilt; emitter-appended) ---
"""Pipeline reference for scband-chunked-pairwise-embedder-60017872994841 (READ-ONLY COPY).

The authoritative reference and input builder live on the scoring server;
editing this copy changes nothing except your own understanding.
"""

import jax, jax.numpy as jnp
import numpy as np

B, L, K, I, C_TOK, C_AP = 1, 2048, 64, 512, 128, 128

def setup_inputs(seed: int = 0):
    key = jax.random.key(seed)
    ks = jax.random.split(key, 10)
    indices = jax.random.randint(ks[0], (B, L, K), 0, L)
    C_L = jax.random.normal(ks[1], (B, L, C_TOK), dtype=jnp.float32)
    Z_init_II = jax.random.normal(ks[2], (I, I, C_TOK), dtype=jnp.float32)
    tok_idx = jnp.sort(jax.random.randint(ks[3], (L,), 0, I))
    s_in = 1.0 / np.sqrt(C_TOK)
    s_ap = 1.0 / np.sqrt(C_AP)
    W_l = jax.random.normal(ks[4], (C_TOK, C_AP), dtype=jnp.float32) * s_in
    W_m = jax.random.normal(ks[5], (C_TOK, C_AP), dtype=jnp.float32) * s_in
    g_z = jnp.ones((C_TOK,), dtype=jnp.float32)
    W_z = jax.random.normal(ks[6], (C_TOK, C_AP), dtype=jnp.float32) * s_in
    W_mlp1 = jax.random.normal(ks[7], (C_AP, C_AP), dtype=jnp.float32) * s_ap
    W_mlp2 = jax.random.normal(ks[8], (C_AP, C_AP), dtype=jnp.float32) * s_ap
    W_mlp3 = jax.random.normal(ks[9], (C_AP, C_AP), dtype=jnp.float32) * s_ap
    return {'indices': indices, 'C_L': C_L, 'Z_init_II': Z_init_II, 'tok_idx': tok_idx, 'W_l': W_l, 'W_m': W_m, 'g_z': g_z, 'W_z': W_z, 'W_mlp1': W_mlp1, 'W_mlp2': W_mlp2, 'W_mlp3': W_mlp3}

def _forward(indices, C_L, Z_init_II, tok_idx, W_l, W_m, g_z, W_z, W_mlp1, W_mlp2, W_mlp3):
    # Faithful translation of ChunkedPairwiseEmbedder.forward_chunked with
    # motif_pos_embedder=None, ref_pos_embedder=None, f={} (those branches are no-ops).
    Bb, Ll, kk = indices.shape
    Iz = Z_init_II.shape[0]
    c = C_L.shape[-1]
    valid_indices = jnp.clip(indices, 0, Ll - 1)
    # C_L_queries[b,l,j,:] = C_L[b,l,:]; C_L_keys[b,l,j,:] = C_L[b, valid_indices[b,l,j], :]
    C_L_queries = jnp.broadcast_to(C_L[:, :, None, :], (Bb, Ll, kk, c))
    C_L_keys = jax.vmap(lambda cl, vi: cl[vi])(C_L, valid_indices)
    # process_single_l / process_single_m: ReLU -> linearNoBias(128, c_atompair)
    single_l = jax.nn.relu(C_L_queries) @ W_l
    single_m = jax.nn.relu(C_L_keys) @ W_m
    P = single_l + single_m
    # token index gathers
    tok_queries = jnp.broadcast_to(tok_idx[None, :, None], (Bb, Ll, kk))
    tok_keys = tok_idx[valid_indices]
    # process_z: RMSNorm(128) -> linearNoBias(128, c_atompair)
    ms = jnp.mean(jnp.square(Z_init_II), axis=-1, keepdims=True)
    Z_norm = Z_init_II * jax.lax.rsqrt(ms + 1e-6) * g_z
    Z_processed = Z_norm @ W_z
    tq = jnp.clip(tok_queries, 0, Iz - 1)
    tk = jnp.clip(tok_keys, 0, Iz - 1)
    Z_pairs = Z_processed[tq, tk]
    P = P + Z_pairs
    # pair_mlp: (ReLU -> Linear) x 3, residual add
    h = jax.nn.relu(P) @ W_mlp1
    h = jax.nn.relu(h) @ W_mlp2
    h = jax.nn.relu(h) @ W_mlp3
    return P + h

def reference(indices, C_L, Z_init_II, tok_idx, W_l, W_m, g_z, W_z, W_mlp1, W_mlp2, W_mlp3):
    return _forward(indices, C_L, Z_init_II, tok_idx, W_l, W_m, g_z, W_z, W_mlp1, W_mlp2, W_mlp3)

if __name__ == "__main__":
    import jax
    _d = setup_inputs()
    print(jax.jit(kernel)(*tuple(_d.values())))

</pallas_src>

<mosaic_0001>
#map = affine_map<(d0, d1) -> (0, 0)>
#map1 = affine_map<(d0, d1) -> (0)>
module attributes {stable_mosaic.version = 14 : i64} {
  func.func @_gather_body(%arg0: i32, %arg1: i32, %arg2: memref<2048x128xf32, #tpu.memory_space<hbm>>, %arg3: memref<262144x128xf32, #tpu.memory_space<hbm>>, %arg4: memref<131072xi32, #tpu.memory_space<hbm>>, %arg5: memref<2048xi32, #tpu.memory_space<hbm>>, %arg6: memref<131072x128xf32, #tpu.memory_space<hbm>>, %arg7: memref<131072x128xf32, #tpu.memory_space<hbm>>, %arg8: memref<2048xi32, #tpu.memory_space<vmem>>, %arg9: memref<4096xi32, #tpu.memory_space<vmem>>, %arg10: memref<4096xi32, #tpu.memory_space<vmem>>, %arg11: memref<4096xi32, #tpu.memory_space<vmem>>, %arg12: memref<128x128xf32, #tpu.memory_space<vmem>>, %arg13: memref<128x128xf32, #tpu.memory_space<vmem>>, %arg14: memref<128x128xf32, #tpu.memory_space<vmem>>, %arg15: memref<128x128xf32, #tpu.memory_space<vmem>>, %arg16: memref<!tpu.dma_semaphore, #tpu.memory_space<semaphore_mem>>, %arg17: memref<!tpu.dma_semaphore, #tpu.memory_space<semaphore_mem>>, %arg18: memref<!tpu.dma_semaphore, #tpu.memory_space<semaphore_mem>>, %arg19: memref<!tpu.dma_semaphore, #tpu.memory_space<semaphore_mem>>) attributes {dimension_semantics = [#tpu.dimension_semantics<core_parallel>, #tpu.dimension_semantics<subcore_parallel>], iteration_bounds = array<i64: 2, 16>, scalar_prefetch = 0 : i64, scratch_operands = 12 : i64, tpu.core_type = #tpu.core_type<sc_vector_subcore>, window_params = [{transform_indices = #map}, {transform_indices = #map}, {transform_indices = #map1}, {transform_indices = #map1}, {transform_indices = #map}, {transform_indices = #map}]} {
    %mul3A = arith.constant 2 : i32
    %mul3A_0 = arith.muli %arg1, %mul3A : i32
    %add3A = arith.addi %mul3A_0, %arg0 : i32
    %mul3A_1 = arith.constant 4096 : i32
    %mul3A_2 = arith.muli %add3A, %mul3A_1 : i32
    "tpu.region"() ({
      %run_scoped3A = tpu.sem_alloc : memref<!tpu.dma_semaphore, #tpu.memory_space<semaphore_mem>>
      tpu.enqueue_dma source(%arg5 : memref<2048xi32, #tpu.memory_space<hbm>>) target(%arg8 : memref<2048xi32, #tpu.memory_space<vmem>>) target_semaphore(%run_scoped3A : memref<!tpu.dma_semaphore, #tpu.memory_space<semaphore_mem>>)
      tpu.wait_dma2 semaphore(%run_scoped3A : memref<!tpu.dma_semaphore, #tpu.memory_space<semaphore_mem>>) src(%arg5 : memref<2048xi32, #tpu.memory_space<hbm>>) dst(%arg8 : memref<2048xi32, #tpu.memory_space<vmem>>)
      tpu.yield
    }) : () -> ()
    "tpu.region"() ({
      %run_scoped3A = tpu.sem_alloc : memref<!tpu.dma_semaphore, #tpu.memory_space<semaphore_mem>>
      %dma_start3A = tpu.memref_slice %arg4[%mul3A_2] : memref<131072xi32, #tpu.memory_space<hbm>> -> memref<4096xi32, #tpu.memory_space<hbm>>
      %dma_start3A_14 = tpu.memref_slice %arg4[%mul3A_2] : memref<131072xi32, #tpu.memory_space<hbm>> -> memref<4096xi32, #tpu.memory_space<hbm>>
      tpu.enqueue_dma source(%dma_start3A_14 : memref<4096xi32, #tpu.memory_space<hbm>>) target(%arg9 : memref<4096xi32, #tpu.memory_space<vmem>>) target_semaphore(%run_scoped3A : memref<!tpu.dma_semaphore, #tpu.memory_space<semaphore_mem>>)
      %dma_wait3A = tpu.memref_slice %arg4[%mul3A_2] : memref<131072xi32, #tpu.memory_space<hbm>> -> memref<4096xi32, #tpu.memory_space<hbm>>
      %dma_wait3A_15 = tpu.memref_slice %arg4[%mul3A_2] : memref<131072xi32, #tpu.memory_space<hbm>> -> memref<4096xi32, #tpu.memory_space<hbm>>
      tpu.wait_dma2 semaphore(%run_scoped3A : memref<!tpu.dma_semaphore, #tpu.memory_space<semaphore_mem>>) src(%dma_wait3A_15 : memref<4096xi32, #tpu.memory_space<hbm>>) dst(%arg9 : memref<4096xi32, #tpu.memory_space<vmem>>)
      tpu.yield
    }) : () -> ()
    %scan3A = arith.constant 0 : i32
    %scan3A_3 = arith.constant 0 : i32
    %scan3A_4 = arith.constant 256 : i32
    %scan3A_5 = arith.addi %scan3A_3, %scan3A_4 : i32
    %scan3A_6 = arith.constant 1 : i32
    scf.for %scan3A_14 = %scan3A_3 to %scan3A_5 step %scan3A_6  : i32 {
      %mul3A_15 = arith.constant 16 : i32
      %mul3A_16 = arith.muli %scan3A_14, %mul3A_15 : i32
      %get3A = arith.index_cast %mul3A_16 : i32 to index
      %get3A_17 = tpu.vector_load %arg9[%get3A] {strides = array<i32>} : memref<4096xi32, #tpu.memory_space<vmem>>, vector<16xi32>,
      %max3A = arith.constant 0 : i32
      %max3A_18 = vector.broadcast %max3A : i32 to vector<16xi32>
      %max3A_19 = arith.maxsi %get3A_17, %max3A_18 : vector<16xi32>
      %min3A = arith.constant 2047 : i32
      %min3A_20 = vector.broadcast %min3A : i32 to vector<16xi32>
      %min3A_21 = arith.minsi %max3A_19, %min3A_20 : vector<16xi32>
      %add3A_22 = arith.addi %mul3A_2, %mul3A_16 : i32
      %iota3A = tpu.iota {dimensions = array<i32: 0>} : vector<16xi32>
      %add3A_23 = vector.broadcast %add3A_22 : i32 to vector<16xi32>
      %add3A_24 = arith.addi %add3A_23, %iota3A : vector<16xi32>
      %shift_right_logical3A = arith.constant 6 : i32
      %shift_right_logical3A_25 = vector.broadcast %shift_right_logical3A : i32 to vector<16xi32>
      %shift_right_logical3A_26 = arith.shrui %add3A_24, %shift_right_logical3A_25 : vector<16xi32>
      %gather3A = tpu.vector_load_idx %arg8[%shift_right_logical3A_26] : memref<2048xi32, #tpu.memory_space<vmem>>[vector<16xi32>], vector<16xi32>,
      %gather3A_27 = tpu.vector_load_idx %arg8[%min3A_21] : memref<2048xi32, #tpu.memory_space<vmem>>[vector<16xi32>], vector<16xi32>,
      %swap3A = arith.index_cast %mul3A_16 : i32 to index
      %swap3A_28 = tpu.vector_load %arg10[%swap3A] {strides = array<i32>} : memref<4096xi32, #tpu.memory_space<vmem>>, vector<16xi32>,
      tpu.vector_store %arg10[%swap3A], %min3A_21 {strides = array<i32>} : memref<4096xi32, #tpu.memory_space<vmem>>, vector<16xi32>,
      %mul3A_29 = arith.constant 512 : i32
      %mul3A_30 = vector.broadcast %mul3A_29 : i32 to vector<16xi32>
      %mul3A_31 = arith.muli %gather3A, %mul3A_30 : vector<16xi32>
      %add3A_32 = arith.addi %mul3A_31, %gather3A_27 : vector<16xi32>
      %swap3A_33 = arith.index_cast %mul3A_16 : i32 to index
      %swap3A_34 = tpu.vector_load %arg11[%swap3A_33] {strides = array<i32>} : memref<4096xi32, #tpu.memory_space<vmem>>, vector<16xi32>,
      tpu.vector_store %arg11[%swap3A_33], %add3A_32 {strides = array<i32>} : memref<4096xi32, #tpu.memory_space<vmem>>, vector<16xi32>,
    }
    %scan3A_7 = arith.constant 256 : i32
    %scan3A_8 = arith.constant 0 : i32
    %scan3A_9 = arith.constant 0 : i32
    %scan3A_10 = arith.constant 16 : i32
    %scan3A_11 = arith.addi %scan3A_9, %scan3A_10 : i32
    %scan3A_12 = arith.constant 1 : i32
    scf.for %scan3A_14 = %scan3A_9 to %scan3A_11 step %scan3A_12  : i32 {
      %mul3A_15 = arith.constant 2 : i32
      %mul3A_16 = arith.muli %scan3A_14, %mul3A_15 : i32
      %add3A_17 = arith.constant 0 : i32
      %add3A_18 = arith.addi %mul3A_16, %add3A_17 : i32
      %mul3A_19 = arith.constant 128 : i32
      %mul3A_20 = arith.muli %add3A_18, %mul3A_19 : i32
      %dma_start3A = tpu.memref_slice %arg10[%mul3A_20] : memref<4096xi32, #tpu.memory_space<vmem>> -> memref<128xi32, #tpu.memory_space<vmem>>
      %dma_start3A_21 = arith.constant 0 : i32
      %dma_start3A_22 = arith.constant 0 : i32
      %dma_start3A_23 = tpu.memref_slice %arg2[%dma_start3A_21, %dma_start3A_22] : memref<2048x128xf32, #tpu.memory_space<hbm>> -> memref<2048x128xf32, #tpu.memory_space<hbm>>
      tpu.enqueue_indirect_dma source(%dma_start3A_23 : memref<2048x128xf32, #tpu.memory_space<hbm>>) target(%arg12 : memref<128x128xf32, #tpu.memory_space<vmem>>) offsets(%dma_start3A : memref<128xi32, #tpu.memory_space<vmem>>) semaphore(%arg16 : memref<!tpu.dma_semaphore, #tpu.memory_space<semaphore_mem>>)
      %mul3A_24 = arith.constant 128 : i32
      %mul3A_25 = arith.muli %add3A_18, %mul3A_24 : i32
      %dma_start3A_26 = tpu.memref_slice %arg11[%mul3A_25] : memref<4096xi32, #tpu.memory_space<vmem>> -> memref<128xi32, #tpu.memory_space<vmem>>
      %dma_start3A_27 = arith.constant 0 : i32
      %dma_start3A_28 = arith.constant 0 : i32
      %dma_start3A_29 = tpu.memref_slice %arg3[%dma_start3A_27, %dma_start3A_28] : memref<262144x128xf32, #tpu.memory_space<hbm>> -> memref<262144x128xf32, #tpu.memory_space<hbm>>
      tpu.enqueue_indirect_dma source(%dma_start3A_29 : memref<262144x128xf32, #tpu.memory_space<hbm>>) target(%arg14 : memref<128x128xf32, #tpu.memory_space<vmem>>) offsets(%dma_start3A_26 : memref<128xi32, #tpu.memory_space<vmem>>) semaphore(%arg18 : memref<!tpu.dma_semaphore, #tpu.memory_space<semaphore_mem>>)
      %mul3A_30 = arith.constant 2 : i32
      %mul3A_31 = arith.muli %scan3A_14, %mul3A_30 : i32
      %add3A_32 = arith.constant 1 : i32
      %add3A_33 = arith.addi %mul3A_31, %add3A_32 : i32
      %mul3A_34 = arith.constant 128 : i32
      %mul3A_35 = arith.muli %add3A_33, %mul3A_34 : i32
      %dma_start3A_36 = tpu.memref_slice %arg10[%mul3A_35] : memref<4096xi32, #tpu.memory_space<vmem>> -> memref<128xi32, #tpu.memory_space<vmem>>
      %dma_start3A_37 = arith.constant 0 : i32
      %dma_start3A_38 = arith.constant 0 : i32
      %dma_start3A_39 = tpu.memref_slice %arg2[%dma_start3A_37, %dma_start3A_38] : memref<2048x128xf32, #tpu.memory_space<hbm>> -> memref<2048x128xf32, #tpu.memory_space<hbm>>
      tpu.enqueue_indirect_dma source(%dma_start3A_39 : memref<2048x128xf32, #tpu.memory_space<hbm>>) target(%arg13 : memref<128x128xf32, #tpu.memory_space<vmem>>) offsets(%dma_start3A_36 : memref<128xi32, #tpu.memory_space<vmem>>) semaphore(%arg17 : memref<!tpu.dma_semaphore, #tpu.memory_space<semaphore_mem>>)
      %mul3A_40 = arith.constant 128 : i32
      %mul3A_41 = arith.muli %add3A_33, %mul3A_40 : i32
      %dma_start3A_42 = tpu.memref_slice %arg11[%mul3A_41] : memref<4096xi32, #tpu.memory_space<vmem>> -> memref<128xi32, #tpu.memory_space<vmem>>
      %dma_start3A_43 = arith.constant 0 : i32
      %dma_start3A_44 = arith.constant 0 : i32
      %dma_start3A_45 = tpu.memref_slice %arg3[%dma_start3A_43, %dma_start3A_44] : memref<262144x128xf32, #tpu.memory_space<hbm>> -> memref<262144x128xf32, #tpu.memory_space<hbm>>
      tpu.enqueue_indirect_dma source(%dma_start3A_45 : memref<262144x128xf32, #tpu.memory_space<hbm>>) target(%arg15 : memref<128x128xf32, #tpu.memory_space<vmem>>) offsets(%dma_start3A_42 : memref<128xi32, #tpu.memory_space<vmem>>) semaphore(%arg19 : memref<!tpu.dma_semaphore, #tpu.memory_space<semaphore_mem>>)
      %mul3A_46 = arith.constant 128 : i32
      %mul3A_47 = arith.muli %add3A_18, %mul3A_46 : i32
      %add3A_48 = arith.addi %mul3A_2, %mul3A_47 : i32
      %dma_wait3A = tpu.memref_slice %arg10[%mul3A_20] : memref<4096xi32, #tpu.memory_space<vmem>> -> memref<128xi32, #tpu.memory_space<vmem>>
      %dma_wait3A_49 = arith.constant 0 : i32
      %dma_wait3A_50 = arith.constant 0 : i32
      %dma_wait3A_51 = tpu.memref_slice %arg2[%dma_wait3A_49, %dma_wait3A_50] : memref<2048x128xf32, #tpu.memory_space<hbm>> -> memref<2048x128xf32, #tpu.memory_space<hbm>>
      tpu.wait_indirect_dma semaphore(%arg16 : memref<!tpu.dma_semaphore, #tpu.memory_space<semaphore_mem>>) src(%dma_wait3A_51 : memref<2048x128xf32, #tpu.memory_space<hbm>>) dst(%arg12 : memref<128x128xf32, #tpu.memory_space<vmem>>)
      "tpu.region"() ({
        %run_scoped3A = tpu.sem_alloc : memref<!tpu.dma_semaphore, #tpu.memory_space<semaphore_mem>>
        %dma_start3A_67 = arith.constant 0 : i32
        %dma_start3A_68 = tpu.memref_slice %arg6[%add3A_48, %dma_start3A_67] : memref<131072x128xf32, #tpu.memory_space<hbm>> -> memref<128x128xf32, #tpu.memory_space<hbm>>
        %dma_start3A_69 = arith.constant 0 : i32
        %dma_start3A_70 = tpu.memref_slice %arg6[%add3A_48, %dma_start3A_69] : memref<131072x128xf32, #tpu.memory_space<hbm>> -> memref<128x128xf32, #tpu.memory_space<hbm>>
        tpu.enqueue_dma source(%arg12 : memref<128x128xf32, #tpu.memory_space<vmem>>) target(%dma_start3A_70 : memref<128x128xf32, #tpu.memory_space<hbm>>) target_semaphore(%run_scoped3A : memref<!tpu.dma_semaphore, #tpu.memory_space<semaphore_mem>>)
        %dma_wait3A_71 = arith.constant 0 : i32
        %dma_wait3A_72 = tpu.memref_slice %arg6[%add3A_48, %dma_wait3A_71] : memref<131072x128xf32, #tpu.memory_space<hbm>> -> memref<128x128xf32, #tpu.memory_space<hbm>>
        %dma_wait3A_73 = arith.constant 0 : i32
        %dma_wait3A_74 = tpu.memref_slice %arg6[%add3A_48, %dma_wait3A_73] : memref<131072x128xf32, #tpu.memory_space<hbm>> -> memref<128x128xf32, #tpu.memory_space<hbm>>
        tpu.wait_dma2 semaphore(%run_scoped3A : memref<!tpu.dma_semaphore, #tpu.memory_space<semaphore_mem>>) src(%arg12 : memref<128x128xf32, #tpu.memory_space<vmem>>) dst(%dma_wait3A_74 : memref<128x128xf32, #tpu.memory_space<hbm>>)
        tpu.yield
      }) : () -> ()
      %dma_wait3A_52 = tpu.memref_slice %arg11[%mul3A_25] : memref<4096xi32, #tpu.memory_space<vmem>> -> memref<128xi32, #tpu.memory_space<vmem>>
      %dma_wait3A_53 = arith.constant 0 : i32
      %dma_wait3A_54 = arith.constant 0 : i32
      %dma_wait3A_55 = tpu.memref_slice %arg3[%dma_wait3A_53, %dma_wait3A_54] : memref<262144x128xf32, #tpu.memory_space<hbm>> -> memref<262144x128xf32, #tpu.memory_space<hbm>>
      tpu.wait_indirect_dma semaphore(%arg18 : memref<!tpu.dma_semaphore, #tpu.memory_space<semaphore_mem>>) src(%dma_wait3A_55 : memref<262144x128xf32, #tpu.memory_space<hbm>>) dst(%arg14 : memref<128x128xf32, #tpu.memory_space<vmem>>)
      "tpu.region"() ({
        %run_scoped3A = tpu.sem_alloc : memref<!tpu.dma_semaphore, #tpu.memory_space<semaphore_mem>>
        %dma_start3A_67 = arith.constant 0 : i32
        %dma_start3A_68 = tpu.memref_slice %arg7[%add3A_48, %dma_start3A_67] : memref<131072x128xf32, #tpu.memory_space<hbm>> -> memref<128x128xf32, #tpu.memory_space<hbm>>
        %dma_start3A_69 = arith.constant 0 : i32
        %dma_start3A_70 = tpu.memref_slice %arg7[%add3A_48, %dma_start3A_69] : memref<131072x128xf32, #tpu.memory_space<hbm>> -> memref<128x128xf32, #tpu.memory_space<hbm>>
        tpu.enqueue_dma source(%arg14 : memref<128x128xf32, #tpu.memory_space<vmem>>) target(%dma_start3A_70 : memref<128x128xf32, #tpu.memory_space<hbm>>) target_semaphore(%run_scoped3A : memref<!tpu.dma_semaphore, #tpu.memory_space<semaphore_mem>>)
        %dma_wait3A_71 = arith.constant 0 : i32
        %dma_wait3A_72 = tpu.memref_slice %arg7[%add3A_48, %dma_wait3A_71] : memref<131072x128xf32, #tpu.memory_space<hbm>> -> memref<128x128xf32, #tpu.memory_space<hbm>>
        %dma_wait3A_73 = arith.constant 0 : i32
        %dma_wait3A_74 = tpu.memref_slice %arg7[%add3A_48, %dma_wait3A_73] : memref<131072x128xf32, #tpu.memory_space<hbm>> -> memref<128x128xf32, #tpu.memory_space<hbm>>
        tpu.wait_dma2 semaphore(%run_scoped3A : memref<!tpu.dma_semaphore, #tpu.memory_space<semaphore_mem>>) src(%arg14 : memref<128x128xf32, #tpu.memory_space<vmem>>) dst(%dma_wait3A_74 : memref<128x128xf32, #tpu.memory_space<hbm>>)
        tpu.yield
      }) : () -> ()
      %mul3A_56 = arith.constant 128 : i32
      %mul3A_57 = arith.muli %add3A_33, %mul3A_56 : i32
      %add3A_58 = arith.addi %mul3A_2, %mul3A_57 : i32
      %dma_wait3A_59 = tpu.memref_slice %arg10[%mul3A_35] : memref<4096xi32, #tpu.memory_space<vmem>> -> memref<128xi32, #tpu.memory_space<vmem>>
      %dma_wait3A_60 = arith.constant 0 : i32
      %dma_wait3A_61 = arith.constant 0 : i32
      %dma_wait3A_62 = tpu.memref_slice %arg2[%dma_wait3A_60, %dma_wait3A_61] : memref<2048x128xf32, #tpu.memory_space<hbm>> -> memref<2048x128xf32, #tpu.memory_space<hbm>>
      tpu.wait_indirect_dma semaphore(%arg17 : memref<!tpu.dma_semaphore, #tpu.memory_space<semaphore_mem>>) src(%dma_wait3A_62 : memref<2048x128xf32, #tpu.memory_space<hbm>>) dst(%arg13 : memref<128x128xf32, #tpu.memory_space<vmem>>)
      "tpu.region"() ({
        %run_scoped3A = tpu.sem_alloc : memref<!tpu.dma_semaphore, #tpu.memory_space<semaphore_mem>>
        %dma_start3A_67 = arith.constant 0 : i32
        %dma_start3A_68 = tpu.memref_slice %arg6[%add3A_58, %dma_start3A_67] : memref<131072x128xf32, #tpu.memory_space<hbm>> -> memref<128x128xf32, #tpu.memory_space<hbm>>
        %dma_start3A_69 = arith.constant 0 : i32
        %dma_start3A_70 = tpu.memref_slice %arg6[%add3A_58, %dma_start3A_69] : memref<131072x128xf32, #tpu.memory_space<hbm>> -> memref<128x128xf32, #tpu.memory_space<hbm>>
        tpu.enqueue_dma source(%arg13 : memref<128x128xf32, #tpu.memory_space<vmem>>) target(%dma_start3A_70 : memref<128x128xf32, #tpu.memory_space<hbm>>) target_semaphore(%run_scoped3A : memref<!tpu.dma_semaphore, #tpu.memory_space<semaphore_mem>>)
        %dma_wait3A_71 = arith.constant 0 : i32
        %dma_wait3A_72 = tpu.memref_slice %arg6[%add3A_58, %dma_wait3A_71] : memref<131072x128xf32, #tpu.memory_space<hbm>> -> memref<128x128xf32, #tpu.memory_space<hbm>>
        %dma_wait3A_73 = arith.constant 0 : i32
        %dma_wait3A_74 = tpu.memref_slice %arg6[%add3A_58, %dma_wait3A_73] : memref<131072x128xf32, #tpu.memory_space<hbm>> -> memref<128x128xf32, #tpu.memory_space<hbm>>
        tpu.wait_dma2 semaphore(%run_scoped3A : memref<!tpu.dma_semaphore, #tpu.memory_space<semaphore_mem>>) src(%arg13 : memref<128x128xf32, #tpu.memory_space<vmem>>) dst(%dma_wait3A_74 : memref<128x128xf32, #tpu.memory_space<hbm>>)
        tpu.yield
      }) : () -> ()
      %dma_wait3A_63 = tpu.memref_slice %arg11[%mul3A_41] : memref<4096xi32, #tpu.memory_space<vmem>> -> memref<128xi32, #tpu.memory_space<vmem>>
      %dma_wait3A_64 = arith.constant 0 : i32
      %dma_wait3A_65 = arith.constant 0 : i32
      %dma_wait3A_66 = tpu.memref_slice %arg3[%dma_wait3A_64, %dma_wait3A_65] : memref<262144x128xf32, #tpu.memory_space<hbm>> -> memref<262144x128xf32, #tpu.memory_space<hbm>>
      tpu.wait_indirect_dma semaphore(%arg19 : memref<!tpu.dma_semaphore, #tpu.memory_space<semaphore_mem>>) src(%dma_wait3A_66 : memref<262144x128xf32, #tpu.memory_space<hbm>>) dst(%arg15 : memref<128x128xf32, #tpu.memory_space<vmem>>)
      "tpu.region"() ({
        %run_scoped3A = tpu.sem_alloc : memref<!tpu.dma_semaphore, #tpu.memory_space<semaphore_mem>>
        %dma_start3A_67 = arith.constant 0 : i32
        %dma_start3A_68 = tpu.memref_slice %arg7[%add3A_58, %dma_start3A_67] : memref<131072x128xf32, #tpu.memory_space<hbm>> -> memref<128x128xf32, #tpu.memory_space<hbm>>
        %dma_start3A_69 = arith.constant 0 : i32
        %dma_start3A_70 = tpu.memref_slice %arg7[%add3A_58, %dma_start3A_69] : memref<131072x128xf32, #tpu.memory_space<hbm>> -> memref<128x128xf32, #tpu.memory_space<hbm>>
        tpu.enqueue_dma source(%arg15 : memref<128x128xf32, #tpu.memory_space<vmem>>) target(%dma_start3A_70 : memref<128x128xf32, #tpu.memory_space<hbm>>) target_semaphore(%run_scoped3A : memref<!tpu.dma_semaphore, #tpu.memory_space<semaphore_mem>>)
        %dma_wait3A_71 = arith.constant 0 : i32
        %dma_wait3A_72 = tpu.memref_slice %arg7[%add3A_58, %dma_wait3A_71] : memref<131072x128xf32, #tpu.memory_space<hbm>> -> memref<128x128xf32, #tpu.memory_space<hbm>>
        %dma_wait3A_73 = arith.constant 0 : i32
        %dma_wait3A_74 = tpu.memref_slice %arg7[%add3A_58, %dma_wait3A_73] : memref<131072x128xf32, #tpu.memory_space<hbm>> -> memref<128x128xf32, #tpu.memory_space<hbm>>
        tpu.wait_dma2 semaphore(%run_scoped3A : memref<!tpu.dma_semaphore, #tpu.memory_space<semaphore_mem>>) src(%arg15 : memref<128x128xf32, #tpu.memory_space<vmem>>) dst(%dma_wait3A_74 : memref<128x128xf32, #tpu.memory_space<hbm>>)
        tpu.yield
      }) : () -> ()
    }
    %scan3A_13 = arith.constant 16 : i32
    return
  }
}

module attributes {stable_mosaic.version = 14 : i64} {
  func.func @_proj_body(%arg0: memref<2048x128xf32, #tpu.memory_space<vmem>>, %arg1: memref<128x128xf32, #tpu.memory_space<vmem>>, %arg2: memref<128x128xf32, #tpu.memory_space<vmem>>, %arg3: memref<2048x128xf32, #tpu.memory_space<vmem>>, %arg4: memref<2048x128xf32, #tpu.memory_space<vmem>>) attributes {dimension_semantics = [], scalar_prefetch = 0 : i64, scratch_operands = 0 : i64, tpu.core_type = #tpu.core_type<tc>} {
    %get3A = arith.constant 0 : index
    %get3A_0 = arith.constant 0 : index
    %get3A_1 = vector.load %arg0[%get3A, %get3A_0] : memref<2048x128xf32, #tpu.memory_space<vmem>>, vector<2048x128xf32>
    %max3A = arith.constant 0.000000e+00 : f32
    %max3A_2 = vector.broadcast %max3A : f32 to vector<2048x128xf32>
    %max3A_3 = arith.maximumf %get3A_1, %max3A_2 : vector<2048x128xf32>
    %get3A_4 = arith.constant 0 : index
    %get3A_5 = arith.constant 0 : index
    %get3A_6 = vector.load %arg1[%get3A_4, %get3A_5] : memref<128x128xf32, #tpu.memory_space<vmem>>, vector<128x128xf32>
    %dot_general3A = arith.constant dense<0.000000e+00> : vector<2048x128xf32>
    %dot_general3A_7 = tpu.matmul %max3A_3, %get3A_6, %dot_general3A {dimension_numbers = #tpu.dot_dimension_numbers<[1], [0], [0], [1], [0, 0, 1, 1], [], []>, transpose_lhs_hint = false} : vector<2048x128xf32>, vector<128x128xf32>, vector<2048x128xf32> -> vector<2048x128xf32>
    %swap3A = arith.constant 0 : index
    %swap3A_8 = arith.constant 0 : index
    %swap3A_9 = vector.load %arg3[%swap3A, %swap3A_8] : memref<2048x128xf32, #tpu.memory_space<vmem>>, vector<2048x128xf32>
    tpu.vector_store %arg3[%swap3A, %swap3A_8], %dot_general3A_7 {strides = array<i32>} : memref<2048x128xf32, #tpu.memory_space<vmem>>, vector<2048x128xf32>,
    %get3A_10 = arith.constant 0 : index
    %get3A_11 = arith.constant 0 : index
    %get3A_12 = vector.load %arg2[%get3A_10, %get3A_11] : memref<128x128xf32, #tpu.memory_space<vmem>>, vector<128x128xf32>
    %dot_general3A_13 = arith.constant dense<0.000000e+00> : vector<2048x128xf32>
    %dot_general3A_14 = tpu.matmul %max3A_3, %get3A_12, %dot_general3A_13 {dimension_numbers = #tpu.dot_dimension_numbers<[1], [0], [0], [1], [0, 0, 1, 1], [], []>, transpose_lhs_hint = false} : vector<2048x128xf32>, vector<128x128xf32>, vector<2048x128xf32> -> vector<2048x128xf32>
    %swap3A_15 = arith.constant 0 : index
    %swap3A_16 = arith.constant 0 : index
    %swap3A_17 = vector.load %arg4[%swap3A_15, %swap3A_16] : memref<2048x128xf32, #tpu.memory_space<vmem>>, vector<2048x128xf32>
    tpu.vector_store %arg4[%swap3A_15, %swap3A_16], %dot_general3A_14 {strides = array<i32>} : memref<2048x128xf32, #tpu.memory_space<vmem>>, vector<2048x128xf32>,
    return
  }
}

module attributes {stable_mosaic.version = 14 : i64} {
  func.func @_mlp_body(%arg0: i32, %arg1: memref<8x128xf32, #tpu.memory_space<vmem>>, %arg2: memref<512x128xf32, #tpu.memory_space<vmem>>, %arg3: memref<512x128xf32, #tpu.memory_space<vmem>>, %arg4: memref<1x128xf32, #tpu.memory_space<vmem>>, %arg5: memref<128x128xf32, #tpu.memory_space<vmem>>, %arg6: memref<128x128xf32, #tpu.memory_space<vmem>>, %arg7: memref<128x128xf32, #tpu.memory_space<vmem>>, %arg8: memref<128x128xf32, #tpu.memory_space<vmem>>, %arg9: memref<512x128xf32, #tpu.memory_space<vmem>>) attributes {dimension_semantics = [#tpu.dimension_semantics<arbitrary>], iteration_bounds = array<i64: 256>, scalar_prefetch = 0 : i64, scratch_operands = 0 : i64, tpu.core_type = #tpu.core_type<tc>, window_params = [{transform_indices = @transform_0, window_bounds = array<i64: 8, 128>}, {transform_indices = @transform_1, window_bounds = array<i64: 512, 128>}, {transform_indices = @transform_2, window_bounds = array<i64: 512, 128>}, {pipeline_mode = #tpu.pipeline_mode<synchronous>, transform_indices = @transform_3, window_bounds = array<i64: 1, 128>}, {pipeline_mode = #tpu.pipeline_mode<synchronous>, transform_indices = @transform_4, window_bounds = array<i64: 128, 128>}, {pipeline_mode = #tpu.pipeline_mode<synchronous>, transform_indices = @transform_5, window_bounds = array<i64: 128, 128>}, {pipeline_mode = #tpu.pipeline_mode<synchronous>, transform_indices = @transform_6, window_bounds = array<i64: 128, 128>}, {pipeline_mode = #tpu.pipeline_mode<synchronous>, transform_indices = @transform_7, window_bounds = array<i64: 128, 128>}, {transform_indices = @transform_8, window_bounds = array<i64: 512, 128>}]} {
    %get3A = arith.constant 0 : index
    %get3A_0 = arith.constant 0 : index
    %get3A_1 = vector.load %arg1[%get3A, %get3A_0] : memref<8x128xf32, #tpu.memory_space<vmem>>, vector<8x128xf32>
    %broadcast_in_dim3A = vector.shape_cast %get3A_1 : vector<8x128xf32> to vector<8x1x128xf32>
    %broadcast_in_dim3A_2 = vector.shape_cast %broadcast_in_dim3A : vector<8x1x128xf32> to vector<8x1x128xf32>
    %broadcast_in_dim3A_3 = vector.broadcast %broadcast_in_dim3A_2 : vector<8x1x128xf32> to vector<8x64x128xf32>
    %reshape3A = vector.shape_cast %broadcast_in_dim3A_3 : vector<8x64x128xf32> to vector<512x128xf32>
    %get3A_4 = arith.constant 0 : index
    %get3A_5 = arith.constant 0 : index
    %get3A_6 = vector.load %arg3[%get3A_4, %get3A_5] : memref<512x128xf32, #tpu.memory_space<vmem>>, vector<512x128xf32>
    %mul3A = arith.mulf %get3A_6, %get3A_6 : vector<512x128xf32>
    %reduce_sum3A = arith.constant dense<0.000000e+00> : vector<512xf32>
    %reduce_sum3A_7 = vector.multi_reduction <add>, %mul3A, %reduce_sum3A [1] : vector<512x128xf32> to vector<512xf32>
    %broadcast_in_dim3A_8 = vector.shape_cast %reduce_sum3A_7 : vector<512xf32> to vector<512x1xf32>
    %div3A = arith.constant 1.280000e+02 : f32
    %div3A_9 = vector.broadcast %div3A : f32 to vector<512x1xf32>
    %div3A_10 = arith.divf %broadcast_in_dim3A_8, %div3A_9 : vector<512x1xf32>
    %add3A = arith.constant 9.99999997E-7 : f32
    %add3A_11 = vector.broadcast %add3A : f32 to vector<512x1xf32>
    %add3A_12 = arith.addf %div3A_10, %add3A_11 : vector<512x1xf32>
    %rsqrt3A = math.rsqrt %add3A_12 : vector<512x1xf32>
    %mul3A_13 = vector.broadcast %rsqrt3A : vector<512x1xf32> to vector<512x128xf32>
    %mul3A_14 = arith.mulf %get3A_6, %mul3A_13 : vector<512x128xf32>
    %get3A_15 = arith.constant 0 : index
    %get3A_16 = arith.constant 0 : index
    %get3A_17 = vector.load %arg4[%get3A_15, %get3A_16] : memref<1x128xf32, #tpu.memory_space<vmem>>, vector<1x128xf32>
    %mul3A_18 = vector.broadcast %get3A_17 : vector<1x128xf32> to vector<512x128xf32>
    %mul3A_19 = arith.mulf %mul3A_14, %mul3A_18 : vector<512x128xf32>
    %get3A_20 = arith.constant 0 : index
    %get3A_21 = arith.constant 0 : index
    %get3A_22 = vector.load %arg2[%get3A_20, %get3A_21] : memref<512x128xf32, #tpu.memory_space<vmem>>, vector<512x128xf32>
    %add3A_23 = arith.addf %reshape3A, %get3A_22 : vector<512x128xf32>
    %get3A_24 = arith.constant 0 : index
    %get3A_25 = arith.constant 0 : index
    %get3A_26 = vector.load %arg5[%get3A_24, %get3A_25] : memref<128x128xf32, #tpu.memory_space<vmem>>, vector<128x128xf32>
    %dot_general3A = arith.constant dense<0.000000e+00> : vector<512x128xf32>
    %dot_general3A_27 = tpu.matmul %mul3A_19, %get3A_26, %dot_general3A {dimension_numbers = #tpu.dot_dimension_numbers<[1], [0], [0], [1], [0, 0, 1, 1], [], []>, transpose_lhs_hint = false} : vector<512x128xf32>, vector<128x128xf32>, vector<512x128xf32> -> vector<512x128xf32>
    %add3A_28 = arith.addf %add3A_23, %dot_general3A_27 : vector<512x128xf32>
    %max3A = arith.constant 0.000000e+00 : f32
    %max3A_29 = vector.broadcast %max3A : f32 to vector<512x128xf32>
    %max3A_30 = arith.maximumf %add3A_28, %max3A_29 : vector<512x128xf32>
    %get3A_31 = arith.constant 0 : index
    %get3A_32 = arith.constant 0 : index
    %get3A_33 = vector.load %arg6[%get3A_31, %get3A_32] : memref<128x128xf32, #tpu.memory_space<vmem>>, vector<128x128xf32>
    %dot_general3A_34 = arith.constant dense<0.000000e+00> : vector<512x128xf32>
    %dot_general3A_35 = tpu.matmul %max3A_30, %get3A_33, %dot_general3A_34 {dimension_numbers = #tpu.dot_dimension_numbers<[1], [0], [0], [1], [0, 0, 1, 1], [], []>, transpose_lhs_hint = false} : vector<512x128xf32>, vector<128x128xf32>, vector<512x128xf32> -> vector<512x128xf32>
    %max3A_36 = arith.constant 0.000000e+00 : f32
    %max3A_37 = vector.broadcast %max3A_36 : f32 to vector<512x128xf32>
    %max3A_38 = arith.maximumf %dot_general3A_35, %max3A_37 : vector<512x128xf32>
    %get3A_39 = arith.constant 0 : index
    %get3A_40 = arith.constant 0 : index
    %get3A_41 = vector.load %arg7[%get3A_39, %get3A_40] : memref<128x128xf32, #tpu.memory_space<vmem>>, vector<128x128xf32>
    %dot_general3A_42 = arith.constant dense<0.000000e+00> : vector<512x128xf32>
    %dot_general3A_43 = tpu.matmul %max3A_38, %get3A_41, %dot_general3A_42 {dimension_numbers = #tpu.dot_dimension_numbers<[1], [0], [0], [1], [0, 0, 1, 1], [], []>, transpose_lhs_hint = false} : vector<512x128xf32>, vector<128x128xf32>, vector<512x128xf32> -> vector<512x128xf32>
    %max3A_44 = arith.constant 0.000000e+00 : f32
    %max3A_45 = vector.broadcast %max3A_44 : f32 to vector<512x128xf32>
    %max3A_46 = arith.maximumf %dot_general3A_43, %max3A_45 : vector<512x128xf32>
    %get3A_47 = arith.constant 0 : index
    %get3A_48 = arith.constant 0 : index
    %get3A_49 = vector.load %arg8[%get3A_47, %get3A_48] : memref<128x128xf32, #tpu.memory_space<vmem>>, vector<128x128xf32>
    %dot_general3A_50 = arith.constant dense<0.000000e+00> : vector<512x128xf32>
    %dot_general3A_51 = tpu.matmul %max3A_46, %get3A_49, %dot_general3A_50 {dimension_numbers = #tpu.dot_dimension_numbers<[1], [0], [0], [1], [0, 0, 1, 1], [], []>, transpose_lhs_hint = false} : vector<512x128xf32>, vector<128x128xf32>, vector<512x128xf32> -> vector<512x128xf32>
    %add3A_52 = arith.addf %add3A_28, %dot_general3A_51 : vector<512x128xf32>
    %swap3A = arith.constant 0 : index
    %swap3A_53 = arith.constant 0 : index
    %swap3A_54 = vector.load %arg9[%swap3A, %swap3A_53] : memref<512x128xf32, #tpu.memory_space<vmem>>, vector<512x128xf32>
    tpu.vector_store %arg9[%swap3A, %swap3A_53], %add3A_52 {strides = array<i32>} : memref<512x128xf32, #tpu.memory_space<vmem>>, vector<512x128xf32>,
    return
  }
  func.func @transform_0(%arg0: i32) -> (i32, i32) {
    %c0_i32 = arith.constant 0 : i32
    %c0_i32_0 = arith.constant 0 : i32
    return %arg0, %c0_i32 : i32, i32
  }
  func.func @transform_1(%arg0: i32) -> (i32, i32) {
    %c0_i32 = arith.constant 0 : i32
    %c0_i32_0 = arith.constant 0 : i32
    return %arg0, %c0_i32 : i32, i32
  }
  func.func @transform_2(%arg0: i32) -> (i32, i32) {
    %c0_i32 = arith.constant 0 : i32
    %c0_i32_0 = arith.constant 0 : i32
    return %arg0, %c0_i32 : i32, i32
  }
  func.func @transform_3(%arg0: i32) -> (i32, i32) {
    %c0_i32 = arith.constant 0 : i32
    %c0_i32_0 = arith.constant 0 : i32
    %c0_i32_1 = arith.constant 0 : i32
    return %c0_i32, %c0_i32_0 : i32, i32
  }
  func.func @transform_4(%arg0: i32) -> (i32, i32) {
    %c0_i32 = arith.constant 0 : i32
    %c0_i32_0 = arith.constant 0 : i32
    %c0_i32_1 = arith.constant 0 : i32
    return %c0_i32, %c0_i32_0 : i32, i32
  }
  func.func @transform_5(%arg0: i32) -> (i32, i32) {
    %c0_i32 = arith.constant 0 : i32
    %c0_i32_0 = arith.constant 0 : i32
    %c0_i32_1 = arith.constant 0 : i32
    return %c0_i32, %c0_i32_0 : i32, i32
  }
  func.func @transform_6(%arg0: i32) -> (i32, i32) {
    %c0_i32 = arith.constant 0 : i32
    %c0_i32_0 = arith.constant 0 : i32
    %c0_i32_1 = arith.constant 0 : i32
    return %c0_i32, %c0_i32_0 : i32, i32
  }
  func.func @transform_7(%arg0: i32) -> (i32, i32) {
    %c0_i32 = arith.constant 0 : i32
    %c0_i32_0 = arith.constant 0 : i32
    %c0_i32_1 = arith.constant 0 : i32
    return %c0_i32, %c0_i32_0 : i32, i32
  }
  func.func @transform_8(%arg0: i32) -> (i32, i32) {
    %c0_i32 = arith.constant 0 : i32
    %c0_i32_0 = arith.constant 0 : i32
    return %arg0, %c0_i32 : i32, i32
  }
}

</mosaic_0001>

<sc_bundles>
// kernel: kernel.5.cloned.1.call-start
scs
__scs_entry_jumppad:
0x0: {  	(pc) =	sbr.rel $0x88, $3  }
0x1: {  	(tag) =	ssettag $0x0;
	lr =	simm.s32 $0x1  }
0x2: {  	[smem:$0x3F96] =	sst lr;
	_ =	strace $0xD0000000  }
0x3: {  	_ = 	snop  }
0x4: {  	_ = 	snop  }
0x5: {  	_ = 	snop  }
0x6: {  	_ = 	snop  }
0x7: {  	_ = 	snop  }
__scs_overlays_trampoline_lowered:
0x8: {  	[smem:$0x3FA5] =	sst s0  }
0x9: {  	[smem:$0x3FA6] =	sst s1  }
0xa: {  	[smem:$0x3FA7] =	sst s2  }
0xb: {  	[smem:$0x3FA8] =	sst s3  }
0xc: {  	[smem:$0x3FA9] =	sst s4  }
0xd: {  	[smem:$0x3FAA] =	sst s5  }
0xe: {  	[smem:$0x3FAB] =	sst s6  }
0xf: {  	[smem:$0x3FAC] =	sst s7  }
0x10: {  	[smem:$0x3FAD] =	sst s8  }
0x11: {  	[smem:$0x3FAE] =	sst s9;
	s0 =	simm.s32 @!p0 $0x0  }
0x12: {  	s1 =	sld [smem:$0x3F94];
	s0 =	simm.s32 @p0 $0x1  }
0x13: {  	[smem:$0x3FAF] =	sst s0;
	s0 =	simm.s32 @!p1 $0x0  }
0x14: {  	s2 =	sld [smem:$0x3F93];
	s0 =	simm.s32 @p1 $0x1  }
0x15: {  	[smem:$0x3FB0] =	sst s0;
	s0 =	simm.s32 @!p2 $0x0  }
0x16: {  	s3 =	sld [smem:$0x3FDB];
	s0 =	simm.s32 @p2 $0x1  }
0x17: {  	s4 =	simm.s32 $0x1BF5;
	[smem:$0x3FB2] =	sst s0  }
0x18: {  	s0 =	sld [smem:$0x3F95];
	_ =	swait.ge [sflag:s4], $0x0  }
0x19: {  	s7 =	sld [smem:$0x3F96]  }
0x1a: {  	s8 =	sadd.s32 $0xFFFFE003, lr  }
0x1b: {  	s9 =	sadd.s32 $0xFFFFFEF7, lr;
	s5 =	simm.s32 $0xFFFFFFFF;
	p2 =	slt.u32 s8, $0xFFFFF086  }
0x1c: {  	p1 =	slt.u32 s9, $0xF7A;
	s5 =	simm.s32 @!p2 $0x0  }
0x1d: {  	s5 =	simm.s32 @p1 $0x1;
	p0 =	seq.s32 s7, s2  }
0x1e: {  	s7 =	smul.u32 @!p0 $0xF7A, s2;
	p2 =	seq.s32 @!p0 s5, $0x0  }
0x1f: {  	s9 =	smul.u32 $0xF7A, s1;
	s8 =	simm.s32 @!p0 $0x1BF5;
	p2 =	por !p2, p0  }
0x20: {  	[sflag:s8] =	ssyncset.s32 @!p0 $0xFFFFF086;
	s6 =	sadd.s32 @!p0 s3, s7;
	s7 =	simm.s32 @!p0 $0x108  }
0x21: {  	s3 =	sadd.s32 s3, s9;
	s6 =	sadd.s32 @!p0 $0x88, s6;
	s7 =	simm.s32 @p2 $0x1082  }
0x22: {  	[simem:s7], [sflag:s8] =	dma.local @!p0 [hbm:s6], $0xF7A  }
0x23: {  	s9 =	sor.u32 $0xD0000000, s2;
	s6 =	simm.s32 $0x108;
	_ =	swait.ge @!p0 [sflag:s8], $0x0  }
0x24: {  	s3 =	sadd.s32 $0x88, s3;
	s6 =	simm.s32 @!p1 $0x1082;
	[sflag:s4] =	ssyncset.s32 $0xFFFFF086  }
0x25: {  	[simem:s6], [sflag:s4] =	dma.local [hbm:s3], $0xF7A  }
0x26: {  	[smem:$0x3F96] =	sst s1;
	(tag) =	ssettag s2;
	_ =	strace s9  }
0x27: {  	s1 =	sld [smem:$0x3FA6]  }
0x28: {  	s2 =	sld [smem:$0x3FA7]  }
0x29: {  	s4 =	sld [smem:$0x3FA9]  }
0x2a: {  	p0 =	seq.s32 s5, $0x0;
	s5 =	sld [smem:$0x3FAA]  }
0x2b: {  	s6 =	sld [smem:$0x3FAB]  }
0x2c: {  	s7 =	sld [smem:$0x3FAC]  }
0x2d: {  	s3 =	simm.s32 $0x108;
	s8 =	sld [smem:$0x3FAD]  }
0x2e: {  	s3 =	simm.s32 @!p0 $0x1082;
	s9 =	sld [smem:$0x3FAE]  }
0x2f: {  	lr =	sadd.s32 s0, s3;
	s0 =	sld [smem:$0x3FA5]  }
0x30: {  	s3 =	sld [smem:$0x3FA8]  }
0x31: {  	[smem:$0x3FB1] =	sst s10  }
0x32: {  	s10 =	sld [smem:$0x3FAF];
	_ =	sdelay $0x3  }
0x33: {  	p0 =	seq.s32 s10, $0x1;
	s10 =	sld [smem:$0x3FB1];
	_ =	sdelay $0x3  }
0x34: {  	[smem:$0x3FB1] =	sst s10  }
0x35: {  	s10 =	sld [smem:$0x3FB0];
	_ =	sdelay $0x3  }
0x36: {  	p1 =	seq.s32 s10, $0x1;
	s10 =	sld [smem:$0x3FB1];
	_ =	sdelay $0x3  }
0x37: {  	[smem:$0x3FB1] =	sst s10  }
0x38: {  	s10 =	sld [smem:$0x3FB2]  }
0x39: {  	_ = 	snop;
	(pc) =	sbr.ind lr, $3  }
0x3a: {  	_ = 	snop  }
0x3b: {  	_ = 	snop  }
0x3c: {  	p2 =	seq.s32 s10, $0x1;
	s10 =	sld [smem:$0x3FB1]  }
0x3d: {  	_ =	shalt  }
0x3e: {  	_ =	shalt  }
0x3f: {  	_ =	shalt  }
0x40: {  	_ =	shalt  }
0x41: {  	_ =	shalt  }
0x42: {  	_ =	shalt  }
0x43: {  	_ =	shalt  }
0x44: {  	_ =	shalt  }
0x45: {  	_ =	shalt  }
0x46: {  	_ =	shalt  }
0x47: {  	_ =	shalt  }
0x48: {  	_ =	shalt  }
0x49: {  	_ =	shalt  }
0x4a: {  	_ =	shalt  }
0x4b: {  	_ =	shalt  }
0x4c: {  	_ =	shalt  }
0x4d: {  	_ =	shalt  }
0x4e: {  	_ =	shalt  }
0x4f: {  	_ =	shalt  }
0x50: {  	_ =	shalt  }
0x51: {  	_ =	shalt  }
0x52: {  	_ =	shalt  }
0x53: {  	_ =	shalt  }
0x54: {  	_ =	shalt  }
0x55: {  	_ =	shalt  }
0x56: {  	_ =	shalt  }
0x57: {  	_ =	shalt  }
0x58: {  	_ =	shalt  }
0x59: {  	_ =	shalt  }
0x5a: {  	_ =	shalt  }
0x5b: {  	_ =	shalt  }
0x5c: {  	_ =	shalt  }
0x5d: {  	_ =	shalt  }
0x5e: {  	_ =	shalt  }
0x5f: {  	_ =	shalt  }
0x60: {  	_ =	shalt  }
0x61: {  	_ =	shalt  }
0x62: {  	_ =	shalt  }
0x63: {  	_ =	shalt  }
0x64: {  	_ =	shalt  }
0x65: {  	_ =	shalt  }
0x66: {  	_ =	shalt  }
0x67: {  	_ =	shalt  }
0x68: {  	_ =	shalt  }
0x69: {  	_ =	shalt  }
0x6a: {  	_ =	shalt  }
0x6b: {  	_ =	shalt  }
0x6c: {  	_ =	shalt  }
0x6d: {  	_ =	shalt  }
0x6e: {  	_ =	shalt  }
0x6f: {  	_ =	shalt  }
0x70: {  	_ =	shalt  }
0x71: {  	_ =	shalt  }
0x72: {  	_ =	shalt  }
0x73: {  	_ =	shalt  }
0x74: {  	_ =	shalt  }
0x75: {  	_ =	shalt  }
0x76: {  	_ =	shalt  }
0x77: {  	_ =	shalt  }
0x78: {  	_ =	shalt  }
0x79: {  	_ =	shalt  }
0x7a: {  	_ =	shalt  }
0x7b: {  	_ =	shalt  }
0x7c: {  	_ =	shalt  }
0x7d: {  	_ =	shalt  }
0x7e: {  	_ =	shalt  }
0x7f: {  	_ =	shalt  }
0x80: {  	_ =	shalt  }
0x81: {  	_ =	shalt  }
0x82: {  	_ =	shalt  }
0x83: {  	_ =	shalt  }
0x84: {  	_ =	shalt  }
0x85: {  	_ =	shalt  }
0x86: {  	_ =	shalt  }
0x87: {  	_ =	shalt  }
.Lfunc_end0:
.L_simem_size_0:
called_computation_lowered:
.L_overlay_start_0:
0x88: {  	s2 =	sld [smem:$0x3FD9]  }
0x89: {  	s3 =	sld [smem:$0x3FFE];
	_ =	sdelay $0x1  }
0x8a: {  	s1 =	srdreg.scid  }
0x8b: {  	s0 =	sand.u32 $0x1, s1  }
0x8c: {  	s17 =	sshll.u32 s0, $0xA;
	s2 =	sadd.s32 s3, s2  }
0x8d: {  	s2 =	sadd.s32 s2, s17  }
0x8e: {  	[smem:$0x3FBD] =	sst s2  }
0x8f: {  	_ = 	snop  }
0x90: {  	s2 =	sld [smem:$0x3FC7]  }
0x91: {  	s18 =	sld [smem:$0x3FC6]  }
0x92: {  	s4 =	sld [smem:$0x3FD0];
	(tm) =	ssettm $0x1  }
0x93: {  	s5 =	sld [smem:$0x3FFB];
	_ =	sdelay $0x3  }
0x94: {  	_ =	strace s5  }
0x95: {  	s5 =	sld [smem:$0x3FFC];
	_ =	sdelay $0x3  }
0x96: {  	_ =	strace s5  }
0x97: {  	s5 =	sld [smem:$0x3FFD];
	_ =	sdelay $0x3  }
0x98: {  	_ =	strace s5  }
0x99: {  	_ =	strace $0x8FFFFFFF  }
0x9a: {  	s19 =	sld [smem:$0x3FDB];
	_ =	sdelay $0x1  }
0x9b: {  	s6 =	simm.s32 $_scs_section_size  }
0x9c: {  	s7 =	simm.s32 $_size__tile_overlayer_lowered;
	s8 =	simm.s32 $_tile_overlayer_lowered  }
0x9d: {  	s22 =	simm.s32 $0x1BFF;
	s21 =	sshll.u32 s8, $0x1;
	s5 =	sadd.s32 s6, s19  }
0x9e: {  	s9 =	simm.s32 $0x0;
	s20 =	sshll.u32 s7, $0x1;
	s7 =	sadd.s32 s21, s5  }
0x9f: {  	[timem:s9], [sflag:s22] =	dma.local [hbm:s7], s20  }
0xa0: {  	_ =	swait.ge [sflag:s22], s20  }
0xa1: {  	s6 =	ssub.s32 $0x0, s20;
	[sflag:s22] =	ssyncset.done $0x0  }
0xa2: {  	[sflag:s22] =	ssyncadd.s32 s6;
	_ =	sdelay $0x1  }
0xa3: {  	s23 =	simm.s32 $0x1B8B  }
0xa4: {  	_ =	swait.ge [sflag:s23], $0x1  }
0xa5: {  	[sflag:s23] =	ssyncset.done $0x0  }
0xa6: {  	s25 =	simm.s32 $0x1B8E;
	s24 =	sld [smem:$0x3FFE];
	[sflag:s23] =	ssyncadd.s32 $0xFFFFFFFF  }
0xa7: {  	s26 =	simm.s32 $execute0_lowered;
	[smem:$0x3FD2] =	sst s25  }
0xa8: {  	s7 =	sshll.u32 s26, $0x1;
	_ =	strace $0x80000046;
	[dreg:$0x1] =	wrdreg $0xFFFFFFFF  }
0xa9: {  	s28 =	simm.s32 $_size_execute0_lowered;
	s5 =	sadd.s32 s5, s7;
	[dreg:$0x0] =	wrdreg $0x0  }
0xaa: {  	s7 =	sshll.u32 s28, $0x1;
	[dreg:$0x2] =	wrdreg s5  }
0xab: {  	[dreg:$0x3] =	wrdreg s7  }
0xac: {  	[dreg:$0x4] =	wrdreg $0xC0  }
0xad: {  	_ =	task [dreg:s9], $0x5FFFF  }
0xae: {  	[dreg:$0x1] =	wrdreg $0xFFFFFFFF  }
0xaf: {  	[dreg:$0x0] =	wrdreg $0x60  }
0xb0: {  	[dreg:$0x2] =	wrdreg s4  }
0xb1: {  	[dreg:$0x3] =	wrdreg s2  }
0xb2: {  	[dreg:$0x4] =	wrdreg s24  }
0xb3: {  	[dreg:$0x5] =	wrdreg s18  }
0xb4: {  	[dreg:$0x6] =	wrdreg $0x9  }
0xb5: {  	_ =	task.clear_ibuf [dreg:s9], $0x7FFFF;
	_ =	strace $0x90000046  }
0xb6: {  	s29 =	simm.s32 $0x9;
	_ =	strace $0x80000048  }
0xb7: {  	_ =	swait.ge [sflag:s29], $0x1  }
0xb8: {  	[sflag:s29] =	ssyncadd.s32 $0xFFFFFFFF  }
0xb9: {  	_ =	strace $0x90000048  }
0xba: {  	_ =	sfence  }
0xbb: {  	s30 =	sld [smem:$0x0];
	_ =	sdelay $0x2  }
0xbc: {  	s31 =	sshll.u32 s1, $0xD;
	s1 =	sshrl.u32 s1, $0x2  }
0xbd: {  	s3 =	sand.u32 $0x4000, s31;
	s1 =	sadd.s32 s1, s30  }
0xbe: {  	s0 =	sor.u32 s3, s0;
	s1 =	sshll.u32 s1, $0x11  }
0xbf: {  	s0 =	sor.u32 s1, s0  }
0xc0: {  	s0 =	sadd.s32 $0x8F2B, s0  }
0xc1: {  	[sflag:s0] =	ssyncadd.remote.s32 $0x1  }
0xc2: {  	_ =	sfence.sel $0xFFFF  }
0xc3: {  	[dreg:$0x0] =	wrdreg $0xFFFFFFFF;
	(pc) =	sbr.abs _section_cstart, $3  }
0xc4: {  	[dreg:$0x1] =	wrdreg $0xFFFFFFFF  }
0xc5: {  	_ =	task.clear_ibuf [dreg:s9], $0x2FFFF;
	_ =	strace $0x9FFFFFFF  }
0xc6: {  	(tm) =	ssettm $0x7FFFFFFF  }
0xc7: {  	_ =	shalt  }
tec
execute0_lowered:
.L_overlay_start_1:
0x0: {  	(tag) =	ssettag $0x1  }
0x1: {  	s1 =	rddreg [dreg:$0x0]  }
0x2: {  	s2 =	rddreg [dreg:$0x1]  }
0x3: {  	s7 =	rddreg [dreg:$0x2]  }
0x4: {  	s4 =	rddreg [dreg:$0x3]  }
0x5: {  	s5 =	srdreg.scid;
	s0 =	rddreg [dreg:$0x4]  }
0x6: {  	s3 =	stileid.u32;
	s12 =	simm.s32 $0x800;
	s13 =	simm.s32 $0x80  }
0x7: {  	s14 =	simm.s32 $0x3800;
	s15 =	simm.s32 $0xB800;
	s16 =	simm.s32 $0x7800  }
0x8: {  	s17 =	simm.s32 $0xF800;
	s18 =	simm.s32 $0x1;
	s19 =	simm.s32 $0x3  }
0x9: {  	s20 =	simm.s32 $0x2;
	s21 =	simm.s32 $0x4;
	s22 =	simm.s32 $0x0  }
0xa: {  	s8 =	sand.u32 $0x1, s5;
	s5 =	simm.s32 $0x0;
	s6 =	sshll.u32 s3, $0xD  }
0xb: {  	s10 =	sshll.u32 s3, $0x11;
	s9 =	sshll.u32 s8, $0xC;
	[smem:$0x7FF] =	sst s5  }
0xc: {  	s11 =	ssub.s32 $0x2, s8;
	s10 =	sadd.s32 s10, s7;
	s8 =	sshll.u32 s8, $0x10  }
0xd: {  	s6 =	sor.u32 s9, s6;
	_ =	strace $0x80000047;
	s31 =	sshrl.u32 s11, $0x1  }
0xe: {  	s10 =	sadd.s32 s8, s10;
	s9 =	sshrl.u32 s6, $0x3;
	s11 =	ssub.s32 s11, s31  }
0xf: {  	s9 =	sadd.s32 s9, s7;
	s8 =	smax.u32 s11, $0x1;
	s11 =	simm.s32 $0x5  }
0x10: {  	s7 =	sadd.s32 $0x1C00, s9;
	s9 =	sadd.s32 $0x5C00, s10;
	s10 =	sadd.s32 $0x205C00, s10  }
.LBB2_1:
0x11: {  	[tilespmem:s5], [sflag:$0x5] =	stream.linear.gather [hbm4b:s4+s5], $0x800, $0x38;
	[tilespmem:$0x13800] =	vst v63  }
0x12: {  	_ =	swait.ge [sflag:s11], $0x800  }
0x13: {  	[sflag:s11] =	ssyncset.done $0x0  }
0x14: {  	[sflag:s11] =	ssyncadd.s32 $0xFFFFF800  }
0x15: {  	[tilespmem:s12], [sflag:$0x5] =	stream.linear.gather [hbm4b:s7+s5], $0x1000, $0x38;
	[tilespmem:$0x13800] =	vst v63  }
0x16: {  	_ =	swait.ge [sflag:s11], $0x1000  }
0x17: {  	[sflag:s11] =	ssyncset.done $0x0  }
0x18: {  	s24 =	simm.s32 $0x0;
	[sflag:s11] =	ssyncadd.s32 $0xFFFFF000  }
0x19: {  	v0 =	vld [tilespmem:s24+$0x800];
	_ =	sdelay $0x2  }
0x1a: {  	v1 =	vmov s6  }
0x1b: {  	v1 =	vshrl.u32 v1, $0x6  }
0x1c: {  	s23 =	simm.s32 $0x10;
	v1 =	vbroadcast v1, $0x0;
	vm0 =	vgt.s32 v0, $0x0  }
0x1d: {  	v2 =	vld [tilespmem:s23+$0x800];
	v0 =	vnsel vm0, $0x0, v0  }
0x1e: {  	v0 =	vmin.u32 v0, $0x7FF;
	_ =	sdelay $0x2  }
0x1f: {  	s25 =	sadd.s32 $0x10, s6  }
0x20: {  	v3 =	vld.idx.msk [tilespmem:v1+s5+$0x0], $0xffff;
	v1 =	vmov s25;
	vm15 =	vgt.s32 v2, $0x0  }
0x21: {  	v1 =	vshrl.u32 v1, $0x6;
	v4 =	vnsel vm15, $0x0, v2;
	v2 =	vld.idx.msk [tilespmem:v0+s5+$0x0], $0xffff  }
0x22: {  	v1 =	vbroadcast v1, $0x0;
	_ =	sdelay $0x1  }
0x23: {  	[tilespmem:s24+$0x1800] =	vst v0;
	v0 =	vmin.u32 v4, $0x7FF  }
0x24: {  	s26 =	simm.s32 $0x20;
	s29 =	simm.s32 $0xC0;
	v3 =	vshll.u32 v3, $0x9  }
.LBB2_2:
0x25: {  	p0 =	sne.s32 s29, $0x3FC0;
	v4 =	vld [tilespmem:s26+$0x800];
	v2 =	vadd.s32 v2, v3  }
0x26: {  	s28 =	simm.s32 $0x0;
	[tilespmem:s24+$0x2800] =	vst v2;
	s24 =	smov.u32 s23;
	s23 =	smov.u32 s26  }
0x27: {  	s25 =	sadd.s32 $0x10, s25;
	v3 =	vld.idx.msk [tilespmem:v1+s28+$0x0], $0xffff  }
0x28: {  	v1 =	vmov s25;
	v2 =	vld.idx.msk [tilespmem:v0+s28+$0x0], $0xffff;
	[tilespmem:s24+$0x1800] =	vst v0  }
.Ltmp0:
0x29: {  	v0 =	vshrl.u32 v1, $0x6;
	(pc) =	sbr.rel @p0 .LBB2_2-.Ltmp0, $4  }
0x2a: {  	v1 =	vbroadcast v0, $0x0;
	vm0 =	vgt.s32 v4, $0x0  }
0x2b: {  	v0 =	vnsel vm0, $0x0, v4  }
0x2c: {  	v0 =	vmin.u32 v0, $0x7FF  }
0x2d: {  	s26 =	sshra.s32 s29, $0x2;
	s29 =	sadd.s32 $0x40, s29;
	v3 =	vshll.u32 v3, $0x9  }
0x2e: {  	_ = 	snop  }
0x2f: {  	v4 =	vld [tilespmem:s26+$0x800]  }
0x30: {  	v2 =	vadd.s32 v2, v3  }
0x31: {  	s31 =	sadd.s32 $0x10, s25;
	[tilespmem:s24+$0x2800] =	vst v2  }
0x32: {  	v60 =	vmov s31;
	v1 =	vld.idx.msk [tilespmem:v1+s28+$0x0], $0xffff  }
0x33: {  	v61 =	vld.idx.msk [tilespmem:v0+s28+$0x0], $0xffff;
	v2 =	vshrl.u32 v60, $0x6  }
0x34: {  	v2 =	vbroadcast v2, $0x0;
	vm0 =	vgt.s32 v4, $0x0  }
0x35: {  	v4 =	vnsel vm0, $0x0, v4  }
0x36: {  	v4 =	vmin.u32 v4, $0x7FF  }
0x37: {  	v1 =	vshll.u32 v1, $0x9  }
0x38: {  	[tilespmem:s23+$0x1800] =	vst v0;
	v62 =	vadd.s32 v61, v1  }
0x39: {  	[tilespmem:s23+$0x2800] =	vst v62  }
0x3a: {  	v0 =	vld.idx.msk [tilespmem:v2+s28+$0x0], $0xffff  }
0x3b: {  	v63 =	vld.idx.msk [tilespmem:v4+s28+$0x0], $0xffff  }
0x3c: {  	p1 =	por $0x1, $0x1  }
.Ltmp1:
0x3d: {  	_ = 	snop;
	(pc) =	sbr.rel @!p1 .LBB2_4-.Ltmp1, $4  }
0x3e: {  	_ = 	snop  }
0x3f: {  	v0 =	vshll.u32 v0, $0x9  }
0x40: {  	s25 =	simm.s32 $0x1880;
	[tilespmem:s26+$0x1800] =	vst v4;
	v0 =	vadd.s32 v63, v0  }
0x41: {  	p0 =	por $0x0, $0x0;
	s24 =	simm.s32 $0x1000;
	s23 =	simm.s32 $0x2880;
	[tilespmem:s26+$0x2800] =	vst v0  }
0x42: {  	s26 =	simm.s32 $0x1800  }
0x43: {  	[tilespmem:s14], [sflag:$0x1] =	stream.indirect.gather [hbm4b:s1+s13], $0x80, s26, s13, $0xb8;
	[tilespmem:$0x13800] =	vst v63  }
0x44: {  	s31 =	simm.s32 $0x2800  }
0x45: {  	[tilespmem:s15], [sflag:$0x3] =	stream.indirect.gather [hbm4b:s2+s13], $0x80, s31, s13, $0xb8;
	[tilespmem:$0x13800] =	vst v63  }
0x46: {  	_ = 	snop  }
0x47: {  	[tilespmem:s16], [sflag:$0x2] =	stream.indirect.gather [hbm4b:s1+s13], $0x80, s25, s13, $0xb8;
	[tilespmem:$0x13800] =	vst v63  }
0x48: {  	_ = 	snop  }
0x49: {  	[tilespmem:s17], [sflag:$0x4] =	stream.indirect.gather [hbm4b:s2+s13], $0x80, s23, s13, $0xb8;
	[tilespmem:$0x13800] =	vst v63  }
0x4a: {  	_ =	swait.ge [sflag:s18], $0x4000  }
0x4b: {  	[sflag:s18] =	ssyncset.done $0x0  }
0x4c: {  	s29 =	sadd.s32 $0x0, s9;
	[sflag:s18] =	ssyncadd.s32 $0xFFFFC000  }
0x4d: {  	[hbm4b:s29+s5] =	stream.linear.scatter [tilespmem:s14], [sflag:$0x5], $0x4000, $0x38;
	[tilespmem:$0x13800] =	vst v63  }
0x4e: {  	_ =	swait.ge [sflag:s11], $0x4000  }
0x4f: {  	[sflag:s11] =	ssyncset.done $0x0  }
0x50: {  	[sflag:s11] =	ssyncadd.s32 $0xFFFFC000  }
0x51: {  	_ =	swait.ge [sflag:s19], $0x4000  }
0x52: {  	[sflag:s19] =	ssyncset.done $0x0  }
0x53: {  	s30 =	sadd.s32 $0x0, s10;
	[sflag:s19] =	ssyncadd.s32 $0xFFFFC000  }
0x54: {  	[hbm4b:s30+s5] =	stream.linear.scatter [tilespmem:s15], [sflag:$0x5], $0x4000, $0x38;
	[tilespmem:$0x13800] =	vst v63  }
0x55: {  	_ =	swait.ge [sflag:s11], $0x4000  }
0x56: {  	[sflag:s11] =	ssyncset.done $0x0  }
0x57: {  	[sflag:s11] =	ssyncadd.s32 $0xFFFFC000  }
0x58: {  	_ =	swait.ge [sflag:s20], $0x4000  }
0x59: {  	[sflag:s20] =	ssyncset.done $0x0  }
0x5a: {  	s25 =	sadd.s32 $0x800, s29;
	[sflag:s20] =	ssyncadd.s32 $0xFFFFC000  }
0x5b: {  	[hbm4b:s25+s5] =	stream.linear.scatter [tilespmem:s16], [sflag:$0x5], $0x4000, $0x38;
	[tilespmem:$0x13800] =	vst v63  }
0x5c: {  	_ =	swait.ge [sflag:s11], $0x4000  }
0x5d: {  	[sflag:s11] =	ssyncset.done $0x0  }
0x5e: {  	[sflag:s11] =	ssyncadd.s32 $0xFFFFC000  }
0x5f: {  	p1 =	por $0x1, $0x1;
	_ =	swait.ge [sflag:s21], $0x4000  }
.Ltmp2:
0x60: {  	[sflag:s21] =	ssyncset.done $0x0;
	(pc) =	sbr.rel @!p1 .LBB2_6-.Ltmp2, $4  }
0x61: {  	s31 =	sadd.s32 $0x800, s30;
	[sflag:s21] =	ssyncadd.s32 $0xFFFFC000  }
0x62: {  	[hbm4b:s31+s5] =	stream.linear.scatter [tilespmem:s17], [sflag:$0x5], $0x4000, $0x38;
	[tilespmem:$0x13800] =	vst v63  }
0x63: {  	s28 =	simm.s32 $0x2000;
	p0 =	por $0x1, $0x1;
	_ =	swait.ge [sflag:s11], $0x4000  }
0x64: {  	s26 =	simm.s32 $0x2880;
	s25 =	simm.s32 $0x1980;
	[sflag:s11] =	ssyncset.done $0x0  }
.LBB2_7:
0x65: {  	s29 =	sadd.s32 $0xFFFFFF80, s25  }
0x66: {  	[sflag:s11] =	ssyncadd.s32 $0xFFFFC000;
	s26 =	sadd.s32 $0x100, s26;
	s30 =	smov.u32 s28  }
0x67: {  	[tilespmem:s14], [sflag:$0x1] =	stream.indirect.gather [hbm4b:s1+s13], $0x80, s29, s13, $0xb8;
	[tilespmem:$0x13800] =	vst v63  }
0x68: {  	p1 =	sne.s32 s28, $0xF000;
	s28 =	sadd.s32 $0x1000, s28;
	s29 =	sadd.s32 $0xFFFFFF80, s26  }
0x69: {  	[tilespmem:s15], [sflag:$0x3] =	stream.indirect.gather [hbm4b:s2+s13], $0x80, s29, s13, $0xb8;
	[tilespmem:$0x13800] =	vst v63  }
0x6a: {  	_ = 	snop  }
0x6b: {  	[tilespmem:s16], [sflag:$0x2] =	stream.indirect.gather [hbm4b:s1+s13], $0x80, s25, s13, $0xb8;
	[tilespmem:$0x13800] =	vst v63  }
0x6c: {  	_ = 	snop  }
0x6d: {  	[tilespmem:s17], [sflag:$0x4] =	stream.indirect.gather [hbm4b:s2+s13], $0x80, s26, s13, $0xb8;
	[tilespmem:$0x13800] =	vst v63  }
0x6e: {  	_ =	swait.ge [sflag:s18], $0x4000  }
0x6f: {  	[sflag:s18] =	ssyncset.done $0x0  }
0x70: {  	s29 =	sadd.s32 s24, s9;
	[sflag:s18] =	ssyncadd.s32 $0xFFFFC000  }
0x71: {  	[hbm4b:s29+s5] =	stream.linear.scatter [tilespmem:s14], [sflag:$0x5], $0x4000, $0x38;
	[tilespmem:$0x13800] =	vst v63  }
0x72: {  	_ =	swait.ge [sflag:s11], $0x4000  }
0x73: {  	[sflag:s11] =	ssyncset.done $0x0  }
0x74: {  	[sflag:s11] =	ssyncadd.s32 $0xFFFFC000  }
0x75: {  	_ =	swait.ge [sflag:s19], $0x4000  }
0x76: {  	[sflag:s19] =	ssyncset.done $0x0  }
0x77: {  	s31 =	sadd.s32 s24, s10;
	s24 =	smov.u32 s30;
	[sflag:s19] =	ssyncadd.s32 $0xFFFFC000  }
0x78: {  	[hbm4b:s31+s5] =	stream.linear.scatter [tilespmem:s15], [sflag:$0x5], $0x4000, $0x38;
	[tilespmem:$0x13800] =	vst v63  }
0x79: {  	_ =	swait.ge [sflag:s11], $0x4000  }
0x7a: {  	[sflag:s11] =	ssyncset.done $0x0  }
0x7b: {  	[sflag:s11] =	ssyncadd.s32 $0xFFFFC000  }
0x7c: {  	_ =	swait.ge [sflag:s20], $0x4000  }
0x7d: {  	[sflag:s20] =	ssyncset.done $0x0  }
0x7e: {  	s29 =	sadd.s32 $0x800, s29;
	[sflag:s20] =	ssyncadd.s32 $0xFFFFC000  }
0x7f: {  	[hbm4b:s29+s5] =	stream.linear.scatter [tilespmem:s16], [sflag:$0x5], $0x4000, $0x38;
	[tilespmem:$0x13800] =	vst v63  }
0x80: {  	_ =	swait.ge [sflag:s11], $0x4000  }
0x81: {  	[sflag:s11] =	ssyncset.done $0x0  }
0x82: {  	[sflag:s11] =	ssyncadd.s32 $0xFFFFC000  }
0x83: {  	_ =	swait.ge [sflag:s21], $0x4000  }
.Ltmp3:
0x84: {  	[sflag:s21] =	ssyncset.done $0x0;
	(pc) =	sbr.rel @p1 .LBB2_7-.Ltmp3, $4  }
0x85: {  	s29 =	sadd.s32 $0x800, s31;
	[sflag:s21] =	ssyncadd.s32 $0xFFFFC000  }
0x86: {  	[hbm4b:s29+s5] =	stream.linear.scatter [tilespmem:s17], [sflag:$0x5], $0x4000, $0x38;
	[tilespmem:$0x13800] =	vst v63  }
0x87: {  	_ =	swait.ge [sflag:s11], $0x4000  }
0x88: {  	s25 =	sadd.s32 $0x100, s25;
	[sflag:s11] =	ssyncset.done $0x0  }
0x89: {  	s28 =	smov.u32 s24  }
.LBB2_9:
0x8a: {  	s24 =	sadd.s32 $0xFFFFFF80, s25;
	[sflag:s11] =	ssyncadd.s32 @p0 $0xFFFFC000;
	s26 =	sadd.s32 @p0 $0x100, s26  }
0x8b: {  	[tilespmem:s14], [sflag:$0x1] =	stream.indirect.gather [hbm4b:s1+s13], $0x80, s24, s13, $0xb8;
	[tilespmem:$0x13800] =	vst v63  }
0x8c: {  	s23 =	smov.u32 @p0 s26  }
0x8d: {  	s26 =	sadd.s32 $0xFFFFFF80, s23  }
0x8e: {  	[tilespmem:s15], [sflag:$0x3] =	stream.indirect.gather [hbm4b:s2+s13], $0x80, s26, s13, $0xb8;
	[tilespmem:$0x13800] =	vst v63  }
0x8f: {  	_ = 	snop  }
0x90: {  	[tilespmem:s16], [sflag:$0x2] =	stream.indirect.gather [hbm4b:s1+s13], $0x80, s25, s13, $0xb8;
	[tilespmem:$0x13800] =	vst v63  }
0x91: {  	_ = 	snop  }
0x92: {  	[tilespmem:s17], [sflag:$0x4] =	stream.indirect.gather [hbm4b:s2+s13], $0x80, s23, s13, $0xb8;
	[tilespmem:$0x13800] =	vst v63  }
0x93: {  	_ =	swait.ge [sflag:s18], $0x4000  }
0x94: {  	[sflag:s18] =	ssyncset.done $0x0  }
0x95: {  	s29 =	sadd.s32 s28, s9;
	[sflag:s18] =	ssyncadd.s32 $0xFFFFC000  }
0x96: {  	[hbm4b:s29+s5] =	stream.linear.scatter [tilespmem:s14], [sflag:$0x5], $0x4000, $0x38;
	[tilespmem:$0x13800] =	vst v63  }
0x97: {  	_ =	swait.ge [sflag:s11], $0x4000  }
0x98: {  	[sflag:s11] =	ssyncset.done $0x0  }
0x99: {  	[sflag:s11] =	ssyncadd.s32 $0xFFFFC000  }
0x9a: {  	_ =	swait.ge [sflag:s19], $0x4000  }
0x9b: {  	[sflag:s19] =	ssyncset.done $0x0  }
0x9c: {  	s30 =	sadd.s32 s28, s10;
	[sflag:s19] =	ssyncadd.s32 $0xFFFFC000  }
0x9d: {  	[hbm4b:s30+s5] =	stream.linear.scatter [tilespmem:s15], [sflag:$0x5], $0x4000, $0x38;
	[tilespmem:$0x13800] =	vst v63  }
0x9e: {  	_ =	swait.ge [sflag:s11], $0x4000  }
0x9f: {  	[sflag:s11] =	ssyncset.done $0x0  }
0xa0: {  	[sflag:s11] =	ssyncadd.s32 $0xFFFFC000  }
0xa1: {  	_ =	swait.ge [sflag:s20], $0x4000  }
0xa2: {  	[sflag:s20] =	ssyncset.done $0x0  }
0xa3: {  	s23 =	sadd.s32 $0x800, s29;
	[sflag:s20] =	ssyncadd.s32 $0xFFFFC000  }
0xa4: {  	[hbm4b:s23+s5] =	stream.linear.scatter [tilespmem:s16], [sflag:$0x5], $0x4000, $0x38;
	[tilespmem:$0x13800] =	vst v63  }
0xa5: {  	_ =	swait.ge [sflag:s11], $0x4000  }
0xa6: {  	[sflag:s11] =	ssyncset.done $0x0  }
0xa7: {  	[sflag:s11] =	ssyncadd.s32 $0xFFFFC000  }
0xa8: {  	_ =	swait.ge [sflag:s21], $0x4000  }
0xa9: {  	s22 =	sadd.s32 $0x1, s22;
	[sflag:s21] =	ssyncset.done $0x0  }
0xaa: {  	s31 =	sadd.s32 $0x800, s30;
	p0 =	sne.s32 s22, s8;
	[sflag:s21] =	ssyncadd.s32 $0xFFFFC000  }
0xab: {  	[hbm4b:s31+s5] =	stream.linear.scatter [tilespmem:s17], [sflag:$0x5], $0x4000, $0x38;
	[tilespmem:$0x13800] =	vst v63  }
.Ltmp4:
0xac: {  	_ = 	snop;
	(pc) =	sbr.rel @p0 .LBB2_1-.Ltmp4, $4  }
.Ltmp5:
0xad: {  	_ = 	snop;
	(pc) =	sbr.rel @!p0 .LBB2_10-.Ltmp5, $4  }
0xae: {  	_ =	swait.ge [sflag:s11], $0x4000  }
0xaf: {  	[sflag:s11] =	ssyncset.done $0x0  }
0xb0: {  	[sflag:s11] =	ssyncadd.s32 $0xFFFFC000  }
0xb1: {  	_ = 	snop  }
.LBB2_4:
.Ltmp6:
0xb2: {  	(pc) =	sbr.rel .LBB2_9-.Ltmp6, $2  }
0xb3: {  	_ =	sdelay $0x2  }
0xb4: {  	s26 =	simm.s32 $0x2880  }
.LBB2_6:
.Ltmp7:
0xb5: {  	(pc) =	sbr.rel .LBB2_9-.Ltmp7, $2  }
0xb6: {  	_ =	sdelay $0x2  }
0xb7: {  	s26 =	simm.s32 $0x2880;
	s28 =	simm.s32 $0x1000  }
.LBB2_10:
0xb8: {  	_ =	sfence.sel $0x180000  }
0xb9: {  	[bflag:$0x0] =	sbarrier.arrive $0xFFFF  }
0xba: {  	p0 =	sne.s32 s3, $0x0;
	_ =	strace $0x90000047  }
0xbb: {  	s0 =	sadd.s32 @!p0 $0x100000, s0;
	[bflag:$0x2] =	sbarrier.arrive $0xFFFF  }
0xbc: {  	[sflag:s0] =	ssyncadd.tile.s32 @!p0 $0x1;
	_ =	shalt  }
.Lfunc_end2:
_tile_overlayer_lowered:
.L_overlay_start_2:
0xbd: {  	(tag) =	ssettag $0x2  }
0xbe: {  	s0 =	rddreg [dreg:$0x0];
	s2 =	stileid.u32  }
0xbf: {  	s1 =	rddreg [dreg:$0x1];
	p0 =	sne.s32 s2, $0x0  }
0xc0: {  	s3 =	rddreg [dreg:$0x2];
	[bflag:$0x3] =	sbarrier.arrive $0xFFFF;
	s2 =	simm.s32 @!p0 $0x1C05  }
0xc1: {  	[timem:s3], [sflag:s2] =	dma.local @!p0 [hbm:s0], s1  }
0xc2: {  	s0 =	simm.s32 @!p0 $0x5  }
0xc3: {  	_ =	swait.ge @!p0 [sflag:s0], s1  }
0xc4: {  	s1 =	ssub.s32 @!p0 $0x0, s1;
	[sflag:s0] =	ssyncset.done @!p0 $0x0  }
0xc5: {  	[sflag:s0] =	ssyncadd.s32 @!p0 s1  }
0xc6: {  	[bflag:$0x3] =	sbarrier.arrive $0xFFFF  }
0xc7: {  	_ =	shalt  }

</sc_bundles>
